<compile_context>
chip_gen: v7x
topology: tpu7x:2x2x1
jax: 0.10.2.dev20260603
libtpu: 0.0.44.dev20260713+nightly
codegen_flags: <defaults>
</compile_context>

<pallas_src>
import functools

import jax
import jax.numpy as jnp
from jax import lax
from jax.experimental import pallas as pl
from jax.experimental.pallas import tpu as pltpu
from jax.experimental.pallas import tpu_sc as plsc

NE = 8192
D = 256
M = 8192
BETA = 0.25

BM = 512
NM = M // BM


def _argmin_body(x_ref, a_ref, cb_ref, idx_ref, dmin_ref, tab_ref,
                 cn_ref, col_ref):
    m = pl.program_id(0)

    @pl.when(m == 0)
    def _():
        cb = cb_ref[...]
        cn_ref[...] = jnp.sum(cb * cb, axis=0, keepdims=True)
        col_ref[...] = lax.broadcasted_iota(jnp.int32, (1, NE), 1).astype(
            jnp.float32)
        tab_ref[...] = cb.T

    x2 = x_ref[...] + x_ref[...]
    d = (a_ref[...]
         - jnp.dot(x2, cb_ref[...], preferred_element_type=jnp.float32)
         ) + cn_ref[...]
    rmin = jnp.min(d, axis=1, keepdims=True)
    cand = jnp.min(jnp.where(d == rmin, col_ref[...], jnp.float32(3.0e38)),
                   axis=1, keepdims=True)
    idx_ref[...] = cand.astype(jnp.int32)
    dmin_ref[...] = rmin


def _argmin_call(flat, a, codebook):
    return pl.pallas_call(
        _argmin_body,
        grid=(NM,),
        in_specs=[
            pl.BlockSpec((BM, D), lambda m: (m, 0)),
            pl.BlockSpec((BM, 1), lambda m: (m, 0)),
            pl.BlockSpec((D, NE), lambda m: (0, 0)),
        ],
        out_specs=[
            pl.BlockSpec((BM, 1), lambda m: (m, 0)),
            pl.BlockSpec((BM, 1), lambda m: (m, 0)),
            pl.BlockSpec((NE, D), lambda m: (0, 0)),
        ],
        out_shape=[
            jax.ShapeDtypeStruct((M, 1), jnp.int32),
            jax.ShapeDtypeStruct((M, 1), jnp.float32),
            jax.ShapeDtypeStruct((NE, D), jnp.float32),
        ],
        scratch_shapes=[
            pltpu.VMEM((1, NE), jnp.float32),
            pltpu.VMEM((1, NE), jnp.float32),
        ],
    )(flat, a, codebook)


_NC = 2
_NS = 16
_NW = _NC * _NS
_BPW = M // _NW


def _sc_gather_hist(table, idx, ones, zeros):
    mesh = plsc.VectorSubcoreMesh(core_axis_name="c", subcore_axis_name="s",
                                  num_cores=_NC, num_subcores=_NS)

    @functools.partial(
        pl.kernel,
        mesh=mesh,
        out_type=[
            jax.ShapeDtypeStruct((M, D), jnp.float32),
            jax.ShapeDtypeStruct((_NC, NE), jnp.float32),
        ],
        scratch_types=[
            pltpu.VMEM((_BPW,), jnp.int32),
            pltpu.VMEM((_BPW, D), jnp.float32),
            pltpu.VMEM((_BPW,), jnp.float32),
            pltpu.VMEM_SHARED((NE,), jnp.float32),
            pltpu.SemaphoreType.DMA,
        ],
    )
    def k(table_hbm, idx_hbm, ones_hbm, zeros_hbm, q_hbm, counts_hbm,
          idx_v, rows_v, ones_v, hist_sh, sem):
        cid = lax.axis_index("c")
        sid = lax.axis_index("s")
        wid = sid * _NC + cid
        base = wid * _BPW

        @pl.when(sid == 0)
        def _():
            pltpu.sync_copy(zeros_hbm, hist_sh)

        pltpu.sync_copy(idx_hbm.at[pl.ds(base, _BPW)], idx_v)
        pltpu.sync_copy(ones_hbm.at[pl.ds(base, _BPW)], ones_v)
        pltpu.async_copy(table_hbm.at[idx_v], rows_v, sem).wait()
        pltpu.sync_copy(rows_v, q_hbm.at[pl.ds(base, _BPW)])
        plsc.subcore_barrier()
        pltpu.sync_copy(ones_v, hist_sh.at[idx_v], add=True)
        plsc.subcore_barrier()

        @pl.when(sid == 0)
        def _():
            pltpu.sync_copy(hist_sh, counts_hbm.at[cid])

    return k(table, idx, ones, zeros)


def _finalize_body(counts_ref, dmin_ref, ppl_ref, cb_ref, cm_ref):
    counts = counts_ref[0:1, :] + counts_ref[1:2, :]
    p = counts * (1.0 / M)
    ent = -jnp.sum(p * jnp.log(p + 1e-10))
    ppl_ref[...] = jnp.reshape(jnp.exp(ent), (1, 1))
    loss = jnp.sum(dmin_ref[...]) * (1.0 / (M * D))
    cb_ref[...] = jnp.reshape(loss, (1, 1))
    cm_ref[...] = jnp.reshape(BETA * loss, (1, 1))



def _finalize_call(counts, dmin):
    return pl.pallas_call(
        _finalize_body,
        out_shape=[
            jax.ShapeDtypeStruct((1, 1), jnp.float32),
            jax.ShapeDtypeStruct((1, 1), jnp.float32),
            jax.ShapeDtypeStruct((1, 1), jnp.float32),
        ],
    )(counts, dmin)


def kernel(inputs, codebook):
    flat = jnp.reshape(inputs, (-1, D))
    a = jnp.sum(jnp.square(flat), 1, keepdims=True)

    idx2, dmin2, table = _argmin_call(flat, a, codebook)
    idx = jnp.reshape(idx2, (M,))

    ones = jnp.ones((M,), jnp.float32)
    zeros = jnp.zeros((NE,), jnp.float32)
    quantized, counts = _sc_gather_hist(table, idx, ones, zeros)

    ppl, cb_loss, cm_loss = _finalize_call(counts, jnp.reshape(dmin2, (64, 128)))

    ste = jnp.reshape(quantized, inputs.shape)
    return (ste,
            jnp.reshape(ppl, ()),
            jnp.reshape(cb_loss, ()),
            jnp.reshape(cm_loss, ()))

# --- scband reference (transcript-rebuilt; emitter-appended) ---
"""Pipeline reference for scband-vector-quantizer-66305705115810 (READ-ONLY COPY).

The authoritative reference and input builder live on the scoring server;
editing this copy changes nothing except your own understanding.
"""

import jax, jax.numpy as jnp
import numpy as np

NUM_EMBEDDINGS = 8192
EMBEDDING_DIM = 256
BETA = 0.25


def setup_inputs(seed: int = 0) -> dict:
    key = jax.random.key(seed)
    k1, k2 = jax.random.split(key)
    inputs = jax.random.normal(k1, (8, 1024, EMBEDDING_DIM), dtype=jnp.float32)
    # lecun_uniform on shape (embedding_dim, num_embeddings): fan_in = embedding_dim
    limit = float(np.sqrt(3.0 / EMBEDDING_DIM))
    codebook = jax.random.uniform(k2, (EMBEDDING_DIM, NUM_EMBEDDINGS), dtype=jnp.float32, minval=-limit, maxval=limit)
    return {"inputs": inputs, "codebook": codebook}


def reference(inputs, codebook):
    flat_inputs = jnp.reshape(inputs, (-1, EMBEDDING_DIM))
    distances = (jnp.sum(jnp.square(flat_inputs), 1, keepdims=True)
                 - 2 * jnp.matmul(flat_inputs, codebook)
                 + jnp.sum(jnp.square(codebook), 0, keepdims=True))
    encoding_indices = jnp.argmin(distances, 1)
    flat_quantized = jnp.take(codebook, encoding_indices, axis=1).swapaxes(1, 0)
    quantized = jnp.reshape(flat_quantized, inputs.shape)
    codebook_loss = jnp.mean(jnp.square(quantized - jax.lax.stop_gradient(inputs)))
    commitment_loss = BETA * jnp.mean(jnp.square(jax.lax.stop_gradient(quantized) - inputs))
    ste = inputs + jax.lax.stop_gradient(quantized - inputs)
    encodings = jax.nn.one_hot(encoding_indices, NUM_EMBEDDINGS, dtype=distances.dtype)
    avg_probs = jnp.mean(encodings, 0)
    perplexity = jnp.exp(-jnp.sum(avg_probs * jnp.log(avg_probs + 1e-10)))
    return (ste, perplexity, codebook_loss, commitment_loss)

if __name__ == "__main__":
    import jax
    _d = setup_inputs()
    print(jax.jit(kernel)(*tuple(_d.values())))

</pallas_src>

<mosaic_0001>
#map = affine_map<(d0, d1) -> (0, 0)>
#map1 = affine_map<(d0, d1) -> (0)>
module attributes {stable_mosaic.version = 14 : i64} {
  func.func @k(%arg0: i32, %arg1: i32, %arg2: memref<8192x256xf32, #tpu.memory_space<hbm>>, %arg3: memref<8192xi32, #tpu.memory_space<hbm>>, %arg4: memref<8192xf32, #tpu.memory_space<hbm>>, %arg5: memref<8192xf32, #tpu.memory_space<hbm>>, %arg6: memref<8192x256xf32, #tpu.memory_space<hbm>>, %arg7: memref<2x8192xf32, #tpu.memory_space<hbm>>, %arg8: memref<256xi32, #tpu.memory_space<vmem>>, %arg9: memref<256x256xf32, #tpu.memory_space<vmem>>, %arg10: memref<256xf32, #tpu.memory_space<vmem>>, %arg11: memref<8192xf32, #tpu.memory_space<vmem_shared>>, %arg12: memref<!tpu.dma_semaphore, #tpu.memory_space<semaphore_mem>>) attributes {dimension_semantics = [#tpu.dimension_semantics<core_parallel>, #tpu.dimension_semantics<subcore_parallel>], iteration_bounds = array<i64: 2, 16>, scalar_prefetch = 0 : i64, scratch_operands = 5 : i64, tpu.core_type = #tpu.core_type<sc_vector_subcore>, window_params = [{transform_indices = #map}, {transform_indices = #map1}, {transform_indices = #map1}, {transform_indices = #map1}, {transform_indices = #map}, {transform_indices = #map}]} {
    %mul3A = arith.constant 2 : i32
    %mul3A_0 = arith.muli %arg1, %mul3A : i32
    %add3A = arith.addi %mul3A_0, %arg0 : i32
    %mul3A_1 = arith.constant 256 : i32
    %mul3A_2 = arith.muli %add3A, %mul3A_1 : i32
    %eq3A = arith.constant 0 : i32
    %eq3A_3 = arith.cmpi eq, %arg1, %eq3A : i32
    %convert_element_type3A = arith.extui %eq3A_3 : i1 to i32
    %cond3A = arith.constant 0 : i32
    %cond3A_4 = arith.cmpi ne, %convert_element_type3A, %cond3A : i32
    scf.if %cond3A_4 {
      "tpu.region"() ({
        %run_scoped3A = tpu.sem_alloc : memref<!tpu.dma_semaphore, #tpu.memory_space<semaphore_mem>>
        tpu.enqueue_dma source(%arg5 : memref<8192xf32, #tpu.memory_space<hbm>>) target(%arg11 : memref<8192xf32, #tpu.memory_space<vmem_shared>>) target_semaphore(%run_scoped3A : memref<!tpu.dma_semaphore, #tpu.memory_space<semaphore_mem>>)
        tpu.wait_dma2 semaphore(%run_scoped3A : memref<!tpu.dma_semaphore, #tpu.memory_space<semaphore_mem>>) src(%arg5 : memref<8192xf32, #tpu.memory_space<hbm>>) dst(%arg11 : memref<8192xf32, #tpu.memory_space<vmem_shared>>)
        tpu.yield
      }) : () -> ()
    } else {
    }
    "tpu.region"() ({
      %run_scoped3A = tpu.sem_alloc : memref<!tpu.dma_semaphore, #tpu.memory_space<semaphore_mem>>
      %dma_start3A_15 = tpu.memref_slice %arg3[%mul3A_2] : memref<8192xi32, #tpu.memory_space<hbm>> -> memref<256xi32, #tpu.memory_space<hbm>>
      %dma_start3A_16 = tpu.memref_slice %arg3[%mul3A_2] : memref<8192xi32, #tpu.memory_space<hbm>> -> memref<256xi32, #tpu.memory_space<hbm>>
      tpu.enqueue_dma source(%dma_start3A_16 : memref<256xi32, #tpu.memory_space<hbm>>) target(%arg8 : memref<256xi32, #tpu.memory_space<vmem>>) target_semaphore(%run_scoped3A : memref<!tpu.dma_semaphore, #tpu.memory_space<semaphore_mem>>)
      %dma_wait3A_17 = tpu.memref_slice %arg3[%mul3A_2] : memref<8192xi32, #tpu.memory_space<hbm>> -> memref<256xi32, #tpu.memory_space<hbm>>
      %dma_wait3A_18 = tpu.memref_slice %arg3[%mul3A_2] : memref<8192xi32, #tpu.memory_space<hbm>> -> memref<256xi32, #tpu.memory_space<hbm>>
      tpu.wait_dma2 semaphore(%run_scoped3A : memref<!tpu.dma_semaphore, #tpu.memory_space<semaphore_mem>>) src(%dma_wait3A_18 : memref<256xi32, #tpu.memory_space<hbm>>) dst(%arg8 : memref<256xi32, #tpu.memory_space<vmem>>)
      tpu.yield
    }) : () -> ()
    "tpu.region"() ({
      %run_scoped3A = tpu.sem_alloc : memref<!tpu.dma_semaphore, #tpu.memory_space<semaphore_mem>>
      %dma_start3A_15 = tpu.memref_slice %arg4[%mul3A_2] : memref<8192xf32, #tpu.memory_space<hbm>> -> memref<256xf32, #tpu.memory_space<hbm>>
      %dma_start3A_16 = tpu.memref_slice %arg4[%mul3A_2] : memref<8192xf32, #tpu.memory_space<hbm>> -> memref<256xf32, #tpu.memory_space<hbm>>
      tpu.enqueue_dma source(%dma_start3A_16 : memref<256xf32, #tpu.memory_space<hbm>>) target(%arg10 : memref<256xf32, #tpu.memory_space<vmem>>) target_semaphore(%run_scoped3A : memref<!tpu.dma_semaphore, #tpu.memory_space<semaphore_mem>>)
      %dma_wait3A_17 = tpu.memref_slice %arg4[%mul3A_2] : memref<8192xf32, #tpu.memory_space<hbm>> -> memref<256xf32, #tpu.memory_space<hbm>>
      %dma_wait3A_18 = tpu.memref_slice %arg4[%mul3A_2] : memref<8192xf32, #tpu.memory_space<hbm>> -> memref<256xf32, #tpu.memory_space<hbm>>
      tpu.wait_dma2 semaphore(%run_scoped3A : memref<!tpu.dma_semaphore, #tpu.memory_space<semaphore_mem>>) src(%dma_wait3A_18 : memref<256xf32, #tpu.memory_space<hbm>>) dst(%arg10 : memref<256xf32, #tpu.memory_space<vmem>>)
      tpu.yield
    }) : () -> ()
    %dma_start3A = arith.constant 0 : i32
    %dma_start3A_5 = arith.constant 0 : i32
    %dma_start3A_6 = tpu.memref_slice %arg2[%dma_start3A, %dma_start3A_5] : memref<8192x256xf32, #tpu.memory_space<hbm>> -> memref<8192x256xf32, #tpu.memory_space<hbm>>
    tpu.enqueue_indirect_dma source(%dma_start3A_6 : memref<8192x256xf32, #tpu.memory_space<hbm>>) target(%arg9 : memref<256x256xf32, #tpu.memory_space<vmem>>) offsets(%arg8 : memref<256xi32, #tpu.memory_space<vmem>>) semaphore(%arg12 : memref<!tpu.dma_semaphore, #tpu.memory_space<semaphore_mem>>)
    %dma_wait3A = arith.constant 0 : i32
    %dma_wait3A_7 = arith.constant 0 : i32
    %dma_wait3A_8 = tpu.memref_slice %arg2[%dma_wait3A, %dma_wait3A_7] : memref<8192x256xf32, #tpu.memory_space<hbm>> -> memref<8192x256xf32, #tpu.memory_space<hbm>>
    tpu.wait_indirect_dma semaphore(%arg12 : memref<!tpu.dma_semaphore, #tpu.memory_space<semaphore_mem>>) src(%dma_wait3A_8 : memref<8192x256xf32, #tpu.memory_space<hbm>>) dst(%arg9 : memref<256x256xf32, #tpu.memory_space<vmem>>)
    "tpu.region"() ({
      %run_scoped3A = tpu.sem_alloc : memref<!tpu.dma_semaphore, #tpu.memory_space<semaphore_mem>>
      %dma_start3A_15 = arith.constant 0 : i32
      %dma_start3A_16 = tpu.memref_slice %arg6[%mul3A_2, %dma_start3A_15] : memref<8192x256xf32, #tpu.memory_space<hbm>> -> memref<256x256xf32, #tpu.memory_space<hbm>>
      %dma_start3A_17 = arith.constant 0 : i32
      %dma_start3A_18 = tpu.memref_slice %arg6[%mul3A_2, %dma_start3A_17] : memref<8192x256xf32, #tpu.memory_space<hbm>> -> memref<256x256xf32, #tpu.memory_space<hbm>>
      tpu.enqueue_dma source(%arg9 : memref<256x256xf32, #tpu.memory_space<vmem>>) target(%dma_start3A_18 : memref<256x256xf32, #tpu.memory_space<hbm>>) target_semaphore(%run_scoped3A : memref<!tpu.dma_semaphore, #tpu.memory_space<semaphore_mem>>)
      %dma_wait3A_19 = arith.constant 0 : i32
      %dma_wait3A_20 = tpu.memref_slice %arg6[%mul3A_2, %dma_wait3A_19] : memref<8192x256xf32, #tpu.memory_space<hbm>> -> memref<256x256xf32, #tpu.memory_space<hbm>>
      %dma_wait3A_21 = arith.constant 0 : i32
      %dma_wait3A_22 = tpu.memref_slice %arg6[%mul3A_2, %dma_wait3A_21] : memref<8192x256xf32, #tpu.memory_space<hbm>> -> memref<256x256xf32, #tpu.memory_space<hbm>>
      tpu.wait_dma2 semaphore(%run_scoped3A : memref<!tpu.dma_semaphore, #tpu.memory_space<semaphore_mem>>) src(%arg9 : memref<256x256xf32, #tpu.memory_space<vmem>>) dst(%dma_wait3A_22 : memref<256x256xf32, #tpu.memory_space<hbm>>)
      tpu.yield
    }) : () -> ()
    %barrier3A = arith.constant 0 : index
    tpu.barrier barrier_id(%barrier3A)
    "tpu.region"() ({
      %run_scoped3A = tpu.sem_alloc : memref<!tpu.dma_semaphore, #tpu.memory_space<semaphore_mem>>
      %dma_start3A_15 = arith.constant 0 : i32
      %dma_start3A_16 = tpu.memref_slice %arg11[%dma_start3A_15] : memref<8192xf32, #tpu.memory_space<vmem_shared>> -> memref<8192xf32, #tpu.memory_space<vmem_shared>>
      tpu.enqueue_indirect_dma source(%arg10 : memref<256xf32, #tpu.memory_space<vmem>>) target(%dma_start3A_16 : memref<8192xf32, #tpu.memory_space<vmem_shared>>) offsets(%arg8 : memref<256xi32, #tpu.memory_space<vmem>>) semaphore(%run_scoped3A : memref<!tpu.dma_semaphore, #tpu.memory_space<semaphore_mem>>) {add = true}
      %dma_wait3A_17 = arith.constant 0 : i32
      %dma_wait3A_18 = tpu.memref_slice %arg11[%dma_wait3A_17] : memref<8192xf32, #tpu.memory_space<vmem_shared>> -> memref<8192xf32, #tpu.memory_space<vmem_shared>>
      tpu.wait_indirect_dma semaphore(%run_scoped3A : memref<!tpu.dma_semaphore, #tpu.memory_space<semaphore_mem>>) src(%arg10 : memref<256xf32, #tpu.memory_space<vmem>>) dst(%dma_wait3A_18 : memref<8192xf32, #tpu.memory_space<vmem_shared>>)
      tpu.yield
    }) : () -> ()
    %barrier3A_9 = arith.constant 0 : index
    tpu.barrier barrier_id(%barrier3A_9)
    %eq3A_10 = arith.constant 0 : i32
    %eq3A_11 = arith.cmpi eq, %arg1, %eq3A_10 : i32
    %convert_element_type3A_12 = arith.extui %eq3A_11 : i1 to i32
    %cond3A_13 = arith.constant 0 : i32
    %cond3A_14 = arith.cmpi ne, %convert_element_type3A_12, %cond3A_13 : i32
    scf.if %cond3A_14 {
      "tpu.region"() ({
        %run_scoped3A = tpu.sem_alloc : memref<!tpu.dma_semaphore, #tpu.memory_space<semaphore_mem>>
        %dma_start3A_15 = arith.constant 0 : i32
        %dma_start3A_16 = tpu.memref_slice %arg7[%arg0, %dma_start3A_15] : memref<2x8192xf32, #tpu.memory_space<hbm>> -> memref<1x8192xf32, #tpu.memory_space<hbm>>
        %dma_start3A_17 = tpu.memref_squeeze %dma_start3A_16 : memref<1x8192xf32, #tpu.memory_space<hbm>> -> memref<8192xf32, #tpu.memory_space<hbm>>
        tpu.enqueue_dma source(%arg11 : memref<8192xf32, #tpu.memory_space<vmem_shared>>) target(%dma_start3A_17 : memref<8192xf32, #tpu.memory_space<hbm>>) target_semaphore(%run_scoped3A : memref<!tpu.dma_semaphore, #tpu.memory_space<semaphore_mem>>)
        %dma_wait3A_18 = arith.constant 0 : i32
        %dma_wait3A_19 = tpu.memref_slice %arg7[%arg0, %dma_wait3A_18] : memref<2x8192xf32, #tpu.memory_space<hbm>> -> memref<1x8192xf32, #tpu.memory_space<hbm>>
        %dma_wait3A_20 = tpu.memref_squeeze %dma_wait3A_19 : memref<1x8192xf32, #tpu.memory_space<hbm>> -> memref<8192xf32, #tpu.memory_space<hbm>>
        tpu.wait_dma2 semaphore(%run_scoped3A : memref<!tpu.dma_semaphore, #tpu.memory_space<semaphore_mem>>) src(%arg11 : memref<8192xf32, #tpu.memory_space<vmem_shared>>) dst(%dma_wait3A_20 : memref<8192xf32, #tpu.memory_space<hbm>>)
        tpu.yield
      }) : () -> ()
    } else {
    }
    return
  }
}

module attributes {stable_mosaic.version = 14 : i64} {
  func.func @_argmin_body(%arg0: i32, %arg1: memref<512x256xf32, #tpu.memory_space<vmem>>, %arg2: memref<512x1xf32, #tpu.memory_space<vmem>>, %arg3: memref<256x8192xf32, #tpu.memory_space<vmem>>, %arg4: memref<512x1xi32, #tpu.memory_space<vmem>>, %arg5: memref<512x1xf32, #tpu.memory_space<vmem>>, %arg6: memref<8192x256xf32, #tpu.memory_space<vmem>>, %arg7: memref<1x8192xf32, #tpu.memory_space<vmem>>, %arg8: memref<1x8192xf32, #tpu.memory_space<vmem>>) attributes {dimension_semantics = [#tpu.dimension_semantics<arbitrary>], iteration_bounds = array<i64: 16>, scalar_prefetch = 0 : i64, scratch_operands = 2 : i64, tpu.core_type = #tpu.core_type<tc>, window_params = [{transform_indices = @transform_0, window_bounds = array<i64: 512, 256>}, {transform_indices = @transform_1, window_bounds = array<i64: 512, 1>}, {pipeline_mode = #tpu.pipeline_mode<synchronous>, transform_indices = @transform_2, window_bounds = array<i64: 256, 8192>}, {transform_indices = @transform_3, window_bounds = array<i64: 512, 1>}, {transform_indices = @transform_4, window_bounds = array<i64: 512, 1>}, {pipeline_mode = #tpu.pipeline_mode<synchronous>, transform_indices = @transform_5, window_bounds = array<i64: 8192, 256>}]} {
    %eq3A = arith.constant 0 : i32
    %eq3A_0 = arith.cmpi eq, %arg0, %eq3A : i32
    %convert_element_type3A = arith.extui %eq3A_0 : i1 to i32
    %cond3A = arith.constant 0 : i32
    %cond3A_1 = arith.cmpi ne, %convert_element_type3A, %cond3A : i32
    scf.if %cond3A_1 {
      %get3A_38 = arith.constant 0 : index
      %get3A_39 = arith.constant 0 : index
      %get3A_40 = vector.load %arg3[%get3A_38, %get3A_39] : memref<256x8192xf32, #tpu.memory_space<vmem>>, vector<256x8192xf32>
      %mul3A = arith.mulf %get3A_40, %get3A_40 : vector<256x8192xf32>
      %reduce_sum3A = arith.constant dense<0.000000e+00> : vector<8192xf32>
      %reduce_sum3A_41 = vector.multi_reduction <add>, %mul3A, %reduce_sum3A [0] : vector<256x8192xf32> to vector<8192xf32>
      %broadcast_in_dim3A_42 = vector.shape_cast %reduce_sum3A_41 : vector<8192xf32> to vector<1x8192xf32>
      %swap3A_43 = arith.constant 0 : index
      %swap3A_44 = arith.constant 0 : index
      %swap3A_45 = vector.load %arg7[%swap3A_43, %swap3A_44] : memref<1x8192xf32, #tpu.memory_space<vmem>>, vector<1x8192xf32>
      tpu.vector_store %arg7[%swap3A_43, %swap3A_44], %broadcast_in_dim3A_42 {strides = array<i32>} : memref<1x8192xf32, #tpu.memory_space<vmem>>, vector<1x8192xf32>,
      %iota3A = tpu.iota {dimensions = array<i32: 1>} : vector<1x8192xi32>
      %convert_element_type3A_46 = arith.sitofp %iota3A : vector<1x8192xi32> to vector<1x8192xf32>
      %swap3A_47 = arith.constant 0 : index
      %swap3A_48 = arith.constant 0 : index
      %swap3A_49 = vector.load %arg8[%swap3A_47, %swap3A_48] : memref<1x8192xf32, #tpu.memory_space<vmem>>, vector<1x8192xf32>
      tpu.vector_store %arg8[%swap3A_47, %swap3A_48], %convert_element_type3A_46 {strides = array<i32>} : memref<1x8192xf32, #tpu.memory_space<vmem>>, vector<1x8192xf32>,
      %transpose3A = tpu.transpose %get3A_40, [1, 0] : vector<256x8192xf32> -> vector<8192x256xf32>
      %swap3A_50 = arith.constant 0 : index
      %swap3A_51 = arith.constant 0 : index
      %swap3A_52 = vector.load %arg6[%swap3A_50, %swap3A_51] : memref<8192x256xf32, #tpu.memory_space<vmem>>, vector<8192x256xf32>
      tpu.vector_store %arg6[%swap3A_50, %swap3A_51], %transpose3A {strides = array<i32>} : memref<8192x256xf32, #tpu.memory_space<vmem>>, vector<8192x256xf32>,
    } else {
    }
    %get3A = arith.constant 0 : index
    %get3A_2 = arith.constant 0 : index
    %get3A_3 = vector.load %arg1[%get3A, %get3A_2] : memref<512x256xf32, #tpu.memory_space<vmem>>, vector<512x256xf32>
    %get3A_4 = arith.constant 0 : index
    %get3A_5 = arith.constant 0 : index
    %get3A_6 = vector.load %arg1[%get3A_4, %get3A_5] : memref<512x256xf32, #tpu.memory_space<vmem>>, vector<512x256xf32>
    %add3A = arith.addf %get3A_3, %get3A_6 : vector<512x256xf32>
    %get3A_7 = arith.constant 0 : index
    %get3A_8 = arith.constant 0 : index
    %get3A_9 = vector.load %arg2[%get3A_7, %get3A_8] : memref<512x1xf32, #tpu.memory_space<vmem>>, vector<512x1xf32>
    %get3A_10 = arith.constant 0 : index
    %get3A_11 = arith.constant 0 : index
    %get3A_12 = vector.load %arg3[%get3A_10, %get3A_11] : memref<256x8192xf32, #tpu.memory_space<vmem>>, vector<256x8192xf32>
    %dot_general3A = arith.constant dense<0.000000e+00> : vector<512x8192xf32>
    %dot_general3A_13 = tpu.matmul %add3A, %get3A_12, %dot_general3A {dimension_numbers = #tpu.dot_dimension_numbers<[1], [0], [0], [1], [0, 0, 1, 1], [], []>, transpose_lhs_hint = false} : vector<512x256xf32>, vector<256x8192xf32>, vector<512x8192xf32> -> vector<512x8192xf32>
    %sub3A = vector.broadcast %get3A_9 : vector<512x1xf32> to vector<512x8192xf32>
    %sub3A_14 = arith.subf %sub3A, %dot_general3A_13 : vector<512x8192xf32>
    %get3A_15 = arith.constant 0 : index
    %get3A_16 = arith.constant 0 : index
    %get3A_17 = vector.load %arg7[%get3A_15, %get3A_16] : memref<1x8192xf32, #tpu.memory_space<vmem>>, vector<1x8192xf32>
    %add3A_18 = vector.broadcast %get3A_17 : vector<1x8192xf32> to vector<512x8192xf32>
    %add3A_19 = arith.addf %sub3A_14, %add3A_18 : vector<512x8192xf32>
    %reduce_min3A = arith.constant dense<0x7F800000> : vector<512xf32>
    %reduce_min3A_20 = vector.multi_reduction <minimumf>, %add3A_19, %reduce_min3A [1] : vector<512x8192xf32> to vector<512xf32>
    %broadcast_in_dim3A = vector.shape_cast %reduce_min3A_20 : vector<512xf32> to vector<512x1xf32>
    %eq3A_21 = vector.broadcast %broadcast_in_dim3A : vector<512x1xf32> to vector<512x8192xf32>
    %eq3A_22 = arith.cmpf oeq, %add3A_19, %eq3A_21 : vector<512x8192xf32>
    %get3A_23 = arith.constant 0 : index
    %get3A_24 = arith.constant 0 : index
    %get3A_25 = vector.load %arg8[%get3A_23, %get3A_24] : memref<1x8192xf32, #tpu.memory_space<vmem>>, vector<1x8192xf32>
    %jit3A = arith.constant 3.000000e+38 : f32
    %broadcast_in_dim3A_26 = vector.shape_cast %get3A_25 : vector<1x8192xf32> to vector<1x8192xf32>
    %broadcast_in_dim3A_27 = vector.broadcast %broadcast_in_dim3A_26 : vector<1x8192xf32> to vector<512x8192xf32>
    %broadcast_in_dim3A_28 = vector.broadcast %jit3A : f32 to vector<512x8192xf32>
    %select_n3A = arith.select %eq3A_22, %broadcast_in_dim3A_27, %broadcast_in_dim3A_28 : vector<512x8192xi1>, vector<512x8192xf32>
    %reduce_min3A_29 = arith.constant dense<0x7F800000> : vector<512xf32>
    %reduce_min3A_30 = vector.multi_reduction <minimumf>, %select_n3A, %reduce_min3A_29 [1] : vector<512x8192xf32> to vector<512xf32>
    %broadcast_in_dim3A_31 = vector.shape_cast %reduce_min3A_30 : vector<512xf32> to vector<512x1xf32>
    %convert_element_type3A_32 = arith.fptosi %broadcast_in_dim3A_31 : vector<512x1xf32> to vector<512x1xi32>
    %swap3A = arith.constant 0 : index
    %swap3A_33 = arith.constant 0 : index
    %swap3A_34 = vector.load %arg4[%swap3A, %swap3A_33] : memref<512x1xi32, #tpu.memory_space<vmem>>, vector<512x1xi32>
    tpu.vector_store %arg4[%swap3A, %swap3A_33], %convert_element_type3A_32 {strides = array<i32>} : memref<512x1xi32, #tpu.memory_space<vmem>>, vector<512x1xi32>,
    %swap3A_35 = arith.constant 0 : index
    %swap3A_36 = arith.constant 0 : index
    %swap3A_37 = vector.load %arg5[%swap3A_35, %swap3A_36] : memref<512x1xf32, #tpu.memory_space<vmem>>, vector<512x1xf32>
    tpu.vector_store %arg5[%swap3A_35, %swap3A_36], %broadcast_in_dim3A {strides = array<i32>} : memref<512x1xf32, #tpu.memory_space<vmem>>, vector<512x1xf32>,
    return
  }
  func.func @transform_0(%arg0: i32) -> (i32, i32) {
    %c0_i32 = arith.constant 0 : i32
    %c0_i32_0 = arith.constant 0 : i32
    return %arg0, %c0_i32 : i32, i32
  }
  func.func @transform_1(%arg0: i32) -> (i32, i32) {
    %c0_i32 = arith.constant 0 : i32
    %c0_i32_0 = arith.constant 0 : i32
    return %arg0, %c0_i32 : i32, i32
  }
  func.func @transform_2(%arg0: i32) -> (i32, i32) {
    %c0_i32 = arith.constant 0 : i32
    %c0_i32_0 = arith.constant 0 : i32
    %c0_i32_1 = arith.constant 0 : i32
    return %c0_i32, %c0_i32_0 : i32, i32
  }
  func.func @transform_3(%arg0: i32) -> (i32, i32) {
    %c0_i32 = arith.constant 0 : i32
    %c0_i32_0 = arith.constant 0 : i32
    return %arg0, %c0_i32 : i32, i32
  }
  func.func @transform_4(%arg0: i32) -> (i32, i32) {
    %c0_i32 = arith.constant 0 : i32
    %c0_i32_0 = arith.constant 0 : i32
    return %arg0, %c0_i32 : i32, i32
  }
  func.func @transform_5(%arg0: i32) -> (i32, i32) {
    %c0_i32 = arith.constant 0 : i32
    %c0_i32_0 = arith.constant 0 : i32
    %c0_i32_1 = arith.constant 0 : i32
    return %c0_i32, %c0_i32_0 : i32, i32
  }
}

module attributes {stable_mosaic.version = 14 : i64} {
  func.func @_finalize_body(%arg0: memref<2x8192xf32, #tpu.memory_space<vmem>>, %arg1: memref<64x128xf32, #tpu.memory_space<vmem>>, %arg2: memref<1x1xf32, #tpu.memory_space<vmem>>, %arg3: memref<1x1xf32, #tpu.memory_space<vmem>>, %arg4: memref<1x1xf32, #tpu.memory_space<vmem>>) attributes {dimension_semantics = [], scalar_prefetch = 0 : i64, scratch_operands = 0 : i64, tpu.core_type = #tpu.core_type<tc>} {
    %get3A = arith.constant 0 : index
    %get3A_0 = arith.constant 0 : index
    %get3A_1 = vector.load %arg0[%get3A, %get3A_0] : memref<2x8192xf32, #tpu.memory_space<vmem>>, vector<1x8192xf32>
    %get3A_2 = arith.constant 1 : index
    %get3A_3 = arith.constant 0 : index
    %get3A_4 = vector.load %arg0[%get3A_2, %get3A_3] : memref<2x8192xf32, #tpu.memory_space<vmem>>, vector<1x8192xf32>
    %add3A = arith.addf %get3A_1, %get3A_4 : vector<1x8192xf32>
    %mul3A = arith.constant 1.22070313E-4 : f32
    %mul3A_5 = vector.broadcast %mul3A : f32 to vector<1x8192xf32>
    %mul3A_6 = arith.mulf %add3A, %mul3A_5 : vector<1x8192xf32>
    %add3A_7 = arith.constant 1.000000e-10 : f32
    %add3A_8 = vector.broadcast %add3A_7 : f32 to vector<1x8192xf32>
    %add3A_9 = arith.addf %mul3A_6, %add3A_8 : vector<1x8192xf32>
    %log3A = math.log %add3A_9 : vector<1x8192xf32>
    %mul3A_10 = arith.mulf %mul3A_6, %log3A : vector<1x8192xf32>
    %reduce_sum3A = vector.shape_cast %mul3A_10 : vector<1x8192xf32> to vector<1x1x8192xf32>
    %reduce_sum3A_11 = arith.constant dense<0.000000e+00> : vector<1xf32>
    %reduce_sum3A_12 = vector.multi_reduction <add>, %reduce_sum3A, %reduce_sum3A_11 [1, 2] : vector<1x1x8192xf32> to vector<1xf32>
    %reduce_sum3A_13 = vector.shape_cast %reduce_sum3A_12 : vector<1xf32> to vector<1x1x1xf32>
    %reduce_sum3A_14 = vector.extract %reduce_sum3A_13[0, 0, 0] : f32 from vector<1x1x1xf32>
    %neg3A = arith.constant 0.000000e+00 : f32
    %neg3A_15 = arith.subf %neg3A, %reduce_sum3A_14 : f32
    %exp3A = math.exp %neg3A_15 : f32
    %reshape3A = vector.broadcast %exp3A : f32 to vector<1x1xf32>
    %swap3A = arith.constant 0 : index
    %swap3A_16 = arith.constant 0 : index
    %swap3A_17 = vector.load %arg2[%swap3A, %swap3A_16] : memref<1x1xf32, #tpu.memory_space<vmem>>, vector<1x1xf32>
    tpu.vector_store %arg2[%swap3A, %swap3A_16], %reshape3A {strides = array<i32>} : memref<1x1xf32, #tpu.memory_space<vmem>>, vector<1x1xf32>,
    %get3A_18 = arith.constant 0 : index
    %get3A_19 = arith.constant 0 : index
    %get3A_20 = vector.load %arg1[%get3A_18, %get3A_19] : memref<64x128xf32, #tpu.memory_space<vmem>>, vector<64x128xf32>
    %reduce_sum3A_21 = vector.shape_cast %get3A_20 : vector<64x128xf32> to vector<1x64x128xf32>
    %reduce_sum3A_22 = arith.constant dense<0.000000e+00> : vector<1xf32>
    %reduce_sum3A_23 = vector.multi_reduction <add>, %reduce_sum3A_21, %reduce_sum3A_22 [1, 2] : vector<1x64x128xf32> to vector<1xf32>
    %reduce_sum3A_24 = vector.shape_cast %reduce_sum3A_23 : vector<1xf32> to vector<1x1x1xf32>
    %reduce_sum3A_25 = vector.extract %reduce_sum3A_24[0, 0, 0] : f32 from vector<1x1x1xf32>
    %mul3A_26 = arith.constant 4.76837158E-7 : f32
    %mul3A_27 = arith.mulf %reduce_sum3A_25, %mul3A_26 : f32
    %reshape3A_28 = vector.broadcast %mul3A_27 : f32 to vector<1x1xf32>
    %swap3A_29 = arith.constant 0 : index
    %swap3A_30 = arith.constant 0 : index
    %swap3A_31 = vector.load %arg3[%swap3A_29, %swap3A_30] : memref<1x1xf32, #tpu.memory_space<vmem>>, vector<1x1xf32>
    tpu.vector_store %arg3[%swap3A_29, %swap3A_30], %reshape3A_28 {strides = array<i32>} : memref<1x1xf32, #tpu.memory_space<vmem>>, vector<1x1xf32>,
    %mul3A_32 = arith.constant 2.500000e-01 : f32
    %mul3A_33 = arith.mulf %mul3A_32, %mul3A_27 : f32
    %reshape3A_34 = vector.broadcast %mul3A_33 : f32 to vector<1x1xf32>
    %swap3A_35 = arith.constant 0 : index
    %swap3A_36 = arith.constant 0 : index
    %swap3A_37 = vector.load %arg4[%swap3A_35, %swap3A_36] : memref<1x1xf32, #tpu.memory_space<vmem>>, vector<1x1xf32>
    tpu.vector_store %arg4[%swap3A_35, %swap3A_36], %reshape3A_34 {strides = array<i32>} : memref<1x1xf32, #tpu.memory_space<vmem>>, vector<1x1xf32>,
    return
  }
}

</mosaic_0001>

<sc_bundles>
// kernel: kernel.5.cloned.1.call-start
scs
__scs_entry_jumppad:
0x0: {  	(pc) =	sbr.rel $0x88, $3  }
0x1: {  	(tag) =	ssettag $0x0;
	lr =	simm.s32 $0x1  }
0x2: {  	[smem:$0x3F9F] =	sst lr;
	_ =	strace $0xD0000000  }
0x3: {  	_ = 	snop  }
0x4: {  	_ = 	snop  }
0x5: {  	_ = 	snop  }
0x6: {  	_ = 	snop  }
0x7: {  	_ = 	snop  }
__scs_overlays_trampoline_lowered:
0x8: {  	[smem:$0x3FAE] =	sst s0  }
0x9: {  	[smem:$0x3FAF] =	sst s1  }
0xa: {  	[smem:$0x3FB0] =	sst s2  }
0xb: {  	[smem:$0x3FB1] =	sst s3  }
0xc: {  	[smem:$0x3FB2] =	sst s4  }
0xd: {  	[smem:$0x3FB3] =	sst s5  }
0xe: {  	[smem:$0x3FB4] =	sst s6  }
0xf: {  	[smem:$0x3FB5] =	sst s7  }
0x10: {  	[smem:$0x3FB6] =	sst s8  }
0x11: {  	[smem:$0x3FB7] =	sst s9;
	s0 =	simm.s32 @!p0 $0x0  }
0x12: {  	s1 =	sld [smem:$0x3F9D];
	s0 =	simm.s32 @p0 $0x1  }
0x13: {  	[smem:$0x3FB8] =	sst s0;
	s0 =	simm.s32 @!p1 $0x0  }
0x14: {  	s2 =	sld [smem:$0x3F9C];
	s0 =	simm.s32 @p1 $0x1  }
0x15: {  	[smem:$0x3FB9] =	sst s0;
	s0 =	simm.s32 @!p2 $0x0  }
0x16: {  	s3 =	sld [smem:$0x3FDB];
	s0 =	simm.s32 @p2 $0x1  }
0x17: {  	s4 =	simm.s32 $0x1BF5;
	[smem:$0x3FBB] =	sst s0  }
0x18: {  	s0 =	sld [smem:$0x3F9E];
	_ =	swait.ge [sflag:s4], $0x0  }
0x19: {  	s7 =	sld [smem:$0x3F9F]  }
0x1a: {  	s8 =	sadd.s32 $0xFFFFE003, lr  }
0x1b: {  	s9 =	sadd.s32 $0xFFFFFEF7, lr;
	s5 =	simm.s32 $0xFFFFFFFF;
	p2 =	slt.u32 s8, $0xFFFFF086  }
0x1c: {  	p1 =	slt.u32 s9, $0xF7A;
	s5 =	simm.s32 @!p2 $0x0  }
0x1d: {  	s5 =	simm.s32 @p1 $0x1;
	p0 =	seq.s32 s7, s2  }
0x1e: {  	s7 =	smul.u32 @!p0 $0xF7A, s2;
	p2 =	seq.s32 @!p0 s5, $0x0  }
0x1f: {  	s9 =	smul.u32 $0xF7A, s1;
	s8 =	simm.s32 @!p0 $0x1BF5;
	p2 =	por !p2, p0  }
0x20: {  	[sflag:s8] =	ssyncset.s32 @!p0 $0xFFFFF086;
	s6 =	sadd.s32 @!p0 s3, s7;
	s7 =	simm.s32 @!p0 $0x108  }
0x21: {  	s3 =	sadd.s32 s3, s9;
	s6 =	sadd.s32 @!p0 $0x88, s6;
	s7 =	simm.s32 @p2 $0x1082  }
0x22: {  	[simem:s7], [sflag:s8] =	dma.local @!p0 [hbm:s6], $0xF7A  }
0x23: {  	s9 =	sor.u32 $0xD0000000, s2;
	s6 =	simm.s32 $0x108;
	_ =	swait.ge @!p0 [sflag:s8], $0x0  }
0x24: {  	s3 =	sadd.s32 $0x88, s3;
	s6 =	simm.s32 @!p1 $0x1082;
	[sflag:s4] =	ssyncset.s32 $0xFFFFF086  }
0x25: {  	[simem:s6], [sflag:s4] =	dma.local [hbm:s3], $0xF7A  }
0x26: {  	[smem:$0x3F9F] =	sst s1;
	(tag) =	ssettag s2;
	_ =	strace s9  }
0x27: {  	s1 =	sld [smem:$0x3FAF]  }
0x28: {  	s2 =	sld [smem:$0x3FB0]  }
0x29: {  	s4 =	sld [smem:$0x3FB2]  }
0x2a: {  	p0 =	seq.s32 s5, $0x0;
	s5 =	sld [smem:$0x3FB3]  }
0x2b: {  	s6 =	sld [smem:$0x3FB4]  }
0x2c: {  	s7 =	sld [smem:$0x3FB5]  }
0x2d: {  	s3 =	simm.s32 $0x108;
	s8 =	sld [smem:$0x3FB6]  }
0x2e: {  	s3 =	simm.s32 @!p0 $0x1082;
	s9 =	sld [smem:$0x3FB7]  }
0x2f: {  	lr =	sadd.s32 s0, s3;
	s0 =	sld [smem:$0x3FAE]  }
0x30: {  	s3 =	sld [smem:$0x3FB1]  }
0x31: {  	[smem:$0x3FBA] =	sst s10  }
0x32: {  	s10 =	sld [smem:$0x3FB8];
	_ =	sdelay $0x3  }
0x33: {  	p0 =	seq.s32 s10, $0x1;
	s10 =	sld [smem:$0x3FBA];
	_ =	sdelay $0x3  }
0x34: {  	[smem:$0x3FBA] =	sst s10  }
0x35: {  	s10 =	sld [smem:$0x3FB9];
	_ =	sdelay $0x3  }
0x36: {  	p1 =	seq.s32 s10, $0x1;
	s10 =	sld [smem:$0x3FBA];
	_ =	sdelay $0x3  }
0x37: {  	[smem:$0x3FBA] =	sst s10  }
0x38: {  	s10 =	sld [smem:$0x3FBB]  }
0x39: {  	_ = 	snop;
	(pc) =	sbr.ind lr, $3  }
0x3a: {  	_ = 	snop  }
0x3b: {  	_ = 	snop  }
0x3c: {  	p2 =	seq.s32 s10, $0x1;
	s10 =	sld [smem:$0x3FBA]  }
0x3d: {  	_ =	shalt  }
0x3e: {  	_ =	shalt  }
0x3f: {  	_ =	shalt  }
0x40: {  	_ =	shalt  }
0x41: {  	_ =	shalt  }
0x42: {  	_ =	shalt  }
0x43: {  	_ =	shalt  }
0x44: {  	_ =	shalt  }
0x45: {  	_ =	shalt  }
0x46: {  	_ =	shalt  }
0x47: {  	_ =	shalt  }
0x48: {  	_ =	shalt  }
0x49: {  	_ =	shalt  }
0x4a: {  	_ =	shalt  }
0x4b: {  	_ =	shalt  }
0x4c: {  	_ =	shalt  }
0x4d: {  	_ =	shalt  }
0x4e: {  	_ =	shalt  }
0x4f: {  	_ =	shalt  }
0x50: {  	_ =	shalt  }
0x51: {  	_ =	shalt  }
0x52: {  	_ =	shalt  }
0x53: {  	_ =	shalt  }
0x54: {  	_ =	shalt  }
0x55: {  	_ =	shalt  }
0x56: {  	_ =	shalt  }
0x57: {  	_ =	shalt  }
0x58: {  	_ =	shalt  }
0x59: {  	_ =	shalt  }
0x5a: {  	_ =	shalt  }
0x5b: {  	_ =	shalt  }
0x5c: {  	_ =	shalt  }
0x5d: {  	_ =	shalt  }
0x5e: {  	_ =	shalt  }
0x5f: {  	_ =	shalt  }
0x60: {  	_ =	shalt  }
0x61: {  	_ =	shalt  }
0x62: {  	_ =	shalt  }
0x63: {  	_ =	shalt  }
0x64: {  	_ =	shalt  }
0x65: {  	_ =	shalt  }
0x66: {  	_ =	shalt  }
0x67: {  	_ =	shalt  }
0x68: {  	_ =	shalt  }
0x69: {  	_ =	shalt  }
0x6a: {  	_ =	shalt  }
0x6b: {  	_ =	shalt  }
0x6c: {  	_ =	shalt  }
0x6d: {  	_ =	shalt  }
0x6e: {  	_ =	shalt  }
0x6f: {  	_ =	shalt  }
0x70: {  	_ =	shalt  }
0x71: {  	_ =	shalt  }
0x72: {  	_ =	shalt  }
0x73: {  	_ =	shalt  }
0x74: {  	_ =	shalt  }
0x75: {  	_ =	shalt  }
0x76: {  	_ =	shalt  }
0x77: {  	_ =	shalt  }
0x78: {  	_ =	shalt  }
0x79: {  	_ =	shalt  }
0x7a: {  	_ =	shalt  }
0x7b: {  	_ =	shalt  }
0x7c: {  	_ =	shalt  }
0x7d: {  	_ =	shalt  }
0x7e: {  	_ =	shalt  }
0x7f: {  	_ =	shalt  }
0x80: {  	_ =	shalt  }
0x81: {  	_ =	shalt  }
0x82: {  	_ =	shalt  }
0x83: {  	_ =	shalt  }
0x84: {  	_ =	shalt  }
0x85: {  	_ =	shalt  }
0x86: {  	_ =	shalt  }
0x87: {  	_ =	shalt  }
.Lfunc_end0:
.L_simem_size_0:
called_computation_lowered:
.L_overlay_start_0:
0x88: {  	s2 =	sld [smem:$0x3FD9]  }
0x89: {  	s3 =	sld [smem:$0x3FFE];
	_ =	sdelay $0x1  }
0x8a: {  	s1 =	srdreg.scid  }
0x8b: {  	s0 =	sand.u32 $0x1, s1  }
0x8c: {  	s14 =	sshll.u32 s0, $0xA;
	s2 =	sadd.s32 s3, s2  }
0x8d: {  	s2 =	sadd.s32 s2, s14  }
0x8e: {  	[smem:$0x3FC6] =	sst s2  }
0x8f: {  	_ = 	snop  }
0x90: {  	s2 =	sld [smem:$0x3FD0];
	_ =	sdelay $0x2  }
0x91: {  	s15 =	simm.s32 $0xA;
	s4 =	simm.s32 $0x10  }
0x92: {  	[smem:s4], [sflag:s15] =	dma.local [hbm:s2], $0x1  }
0x93: {  	_ =	swait.eq [sflag:s15], $0x1  }
0x94: {  	[sflag:s15] =	ssyncset.done $0x0  }
0x95: {  	[sflag:s15] =	ssyncadd.s32 $0xFFFFFFFF  }
0x96: {  	s16 =	sld [smem:$0x10];
	(tm) =	ssettm $0x1  }
0x97: {  	s17 =	sld [smem:$0x3FFB];
	_ =	sdelay $0x3  }
0x98: {  	_ =	strace s17  }
0x99: {  	s3 =	sld [smem:$0x3FFC];
	_ =	sdelay $0x3  }
0x9a: {  	_ =	strace s3  }
0x9b: {  	s3 =	sld [smem:$0x3FFD];
	_ =	sdelay $0x3  }
0x9c: {  	_ =	strace s3  }
0x9d: {  	_ =	strace $0x8FFFFFFF  }
0x9e: {  	s18 =	sld [smem:$0x3FDB];
	_ =	sdelay $0x1  }
0x9f: {  	s19 =	simm.s32 $_scs_section_size  }
0xa0: {  	s5 =	simm.s32 $_size__tile_overlayer_lowered;
	s6 =	simm.s32 $_tile_overlayer_lowered  }
0xa1: {  	s22 =	simm.s32 $0x1BFF;
	s21 =	sshll.u32 s6, $0x1;
	s3 =	sadd.s32 s19, s18  }
0xa2: {  	s7 =	simm.s32 $0x0;
	s20 =	sshll.u32 s5, $0x1;
	s5 =	sadd.s32 s21, s3  }
0xa3: {  	[timem:s7], [sflag:s22] =	dma.local [hbm:s5], s20  }
0xa4: {  	_ =	swait.ge [sflag:s22], s20  }
0xa5: {  	s4 =	ssub.s32 $0x0, s20;
	[sflag:s22] =	ssyncset.done $0x0  }
0xa6: {  	[sflag:s22] =	ssyncadd.s32 s4;
	_ =	sdelay $0x1  }
0xa7: {  	s23 =	simm.s32 $0x1B8B  }
0xa8: {  	_ =	swait.ge [sflag:s23], $0x1  }
0xa9: {  	[sflag:s23] =	ssyncset.done $0x0  }
0xaa: {  	s25 =	simm.s32 $0x1B8E;
	s24 =	sld [smem:$0x3FFE];
	[sflag:s23] =	ssyncadd.s32 $0xFFFFFFFF  }
0xab: {  	s26 =	simm.s32 $execute0_lowered;
	[smem:$0x3FD2] =	sst s25  }
0xac: {  	s5 =	sshll.u32 s26, $0x1;
	_ =	strace $0x80000046;
	[dreg:$0x1] =	wrdreg $0xFFFFFFFF  }
0xad: {  	s28 =	simm.s32 $_size_execute0_lowered;
	s3 =	sadd.s32 s3, s5;
	[dreg:$0x0] =	wrdreg $0x0  }
0xae: {  	s5 =	sshll.u32 s28, $0x1;
	[dreg:$0x2] =	wrdreg s3  }
0xaf: {  	[dreg:$0x3] =	wrdreg s5  }
0xb0: {  	[dreg:$0x4] =	wrdreg $0xC0  }
0xb1: {  	_ =	task [dreg:s7], $0x5FFFF  }
0xb2: {  	[dreg:$0x1] =	wrdreg $0xFFFFFFFF  }
0xb3: {  	[dreg:$0x0] =	wrdreg $0x60  }
0xb4: {  	[dreg:$0x2] =	wrdreg s24  }
0xb5: {  	[dreg:$0x3] =	wrdreg s16  }
0xb6: {  	[dreg:$0x4] =	wrdreg $0x102000  }
0xb7: {  	[dreg:$0x5] =	wrdreg $0x9  }
0xb8: {  	_ =	task.clear_ibuf [dreg:s7], $0x6FFFF;
	_ =	strace $0x90000046  }
0xb9: {  	s29 =	simm.s32 $0x9;
	_ =	strace $0x80000048  }
0xba: {  	_ =	swait.ge [sflag:s29], $0x1  }
0xbb: {  	[sflag:s29] =	ssyncadd.s32 $0xFFFFFFFF  }
0xbc: {  	_ =	strace $0x90000048  }
0xbd: {  	_ =	sfence  }
0xbe: {  	s30 =	sld [smem:$0x0];
	_ =	sdelay $0x2  }
0xbf: {  	s31 =	sshll.u32 s1, $0xD;
	s1 =	sshrl.u32 s1, $0x2  }
0xc0: {  	s3 =	sand.u32 $0x4000, s31;
	s1 =	sadd.s32 s1, s30  }
0xc1: {  	s0 =	sor.u32 s3, s0;
	s1 =	sshll.u32 s1, $0x11  }
0xc2: {  	s0 =	sor.u32 s1, s0  }
0xc3: {  	s0 =	sadd.s32 $0x8F2B, s0  }
0xc4: {  	[sflag:s0] =	ssyncadd.remote.s32 $0x1  }
0xc5: {  	_ =	sfence.sel $0xFFFF  }
0xc6: {  	[dreg:$0x0] =	wrdreg $0xFFFFFFFF;
	(pc) =	sbr.abs _section_cstart, $3  }
0xc7: {  	[dreg:$0x1] =	wrdreg $0xFFFFFFFF  }
0xc8: {  	_ =	task.clear_ibuf [dreg:s7], $0x2FFFF;
	_ =	strace $0x9FFFFFFF  }
0xc9: {  	(tm) =	ssettm $0x7FFFFFFF  }
tec
execute0_lowered:
.L_overlay_start_1:
0x0: {  	(tag) =	ssettag $0x1  }
0x1: {  	s0 =	rddreg [dreg:$0x0]  }
0x2: {  	s1 =	srdreg.scid;
	s4 =	rddreg [dreg:$0x1]  }
0x3: {  	s3 =	simm.s32 $0x0;
	s6 =	sand.u32 $0x1, s1;
	s1 =	rddreg [dreg:$0x2]  }
0x4: {  	[smem:$0x7FF] =	sst s3;
	s9 =	sadd.s32 $0x40400, s0  }
0x5: {  	s16 =	simm.s32 $0x900;
	_ =	strace $0x80000047;
	[dreg:$0x4] =	wrdreg s9  }
0x6: {  	s17 =	simm.s32 $0x1100;
	[dreg:$0x9] =	wrdreg s16  }
0x7: {  	s18 =	simm.s32 $0x1900;
	[dreg:$0xa] =	wrdreg s17  }
0x8: {  	s19 =	simm.s32 $0x2100;
	[dreg:$0xb] =	wrdreg s18  }
0x9: {  	s20 =	simm.s32 $0x2900;
	[dreg:$0xc] =	wrdreg s19  }
0xa: {  	s5 =	stileid.u32;
	s21 =	simm.s32 $0x3100;
	[dreg:$0xd] =	wrdreg s20  }
0xb: {  	s22 =	simm.s32 $0x3900;
	s23 =	simm.s32 $0x4100;
	[dreg:$0xe] =	wrdreg s21  }
0xc: {  	s25 =	simm.s32 $0x4900;
	s26 =	simm.s32 $0x5100;
	[dreg:$0xf] =	wrdreg s22  }
0xd: {  	s28 =	simm.s32 $0x5900;
	s29 =	simm.s32 $0x6100;
	[dreg:$0x10] =	wrdreg s23  }
0xe: {  	s30 =	simm.s32 $0x6900;
	s31 =	simm.s32 $0x7100;
	[dreg:$0x11] =	wrdreg s25  }
0xf: {  	s11 =	simm.s32 $0x8900;
	s12 =	simm.s32 $0x9100;
	[dreg:$0x12] =	wrdreg s26  }
0x10: {  	s13 =	simm.s32 $0x9900;
	s7 =	sshll.u32 s5, $0x9;
	[dreg:$0x13] =	wrdreg s28  }
0x11: {  	p0 =	sne.s32 s5, $0x0;
	s8 =	sshll.u32 s6, $0x8;
	[dreg:$0x14] =	wrdreg s29  }
0x12: {  	s14 =	sshll.u32 s6, $0x4;
	s6 =	ssub.s32 $0x2, s6;
	[dreg:$0x15] =	wrdreg s30  }
0x13: {  	s5 =	sshrl.u32 @!p0 s1, $0x3;
	[dreg:$0x16] =	wrdreg s31;
	s16 =	simm.s32 $0xB100  }
0x14: {  	s17 =	simm.s32 $0xB900;
	s18 =	simm.s32 $0xC100;
	s19 =	simm.s32 $0xC900  }
0x15: {  	s20 =	simm.s32 $0xD100;
	s21 =	simm.s32 $0xD900;
	s22 =	simm.s32 $0xE100  }
0x16: {  	s23 =	simm.s32 $0xE900;
	s25 =	simm.s32 $0xF900;
	s26 =	simm.s32 $0x1  }
0x17: {  	s7 =	sor.u32 s8, s7;
	s9 =	sadd.s32 s14, s0;
	s24 =	sshrl.u32 s6, $0x1  }
0x18: {  	s14 =	simm.s32 $0xA100;
	s8 =	sshrl.u32 s7, $0x3;
	s7 =	sshll.u32 s7, $0x5  }
0x19: {  	s15 =	sadd.s32 $0x40C00, s9;
	s6 =	ssub.s32 s6, s24;
	s9 =	simm.s32 $0x7900  }
0x1a: {  	s24 =	simm.s32 $0xF100;
	s8 =	sadd.s32 s8, s0;
	s4 =	sadd.s32 s4, s7  }
0x1b: {  	[dreg:$0x8] =	wrdreg s15;
	s7 =	simm.s32 $0x10100;
	s15 =	simm.s32 $0xA900  }
0x1c: {  	v2 =	vlaneseq.u32;
	s10 =	sadd.s32 $0x40000, s8;
	s8 =	sadd.s32 $0x40800, s8;
	[dreg:$0x7] =	wrdreg s4  }
0x1d: {  	vm0 =	vmmov $0xffff;
	v1 =	vshrl.u32 v2, $0x3;
	s4 =	smax.u32 s6, $0x1;
	s6 =	simm.s32 $0x2;
	[dreg:$0x5] =	wrdreg s10  }
0x1e: {  	v0 =	vand.u32 $0x7, v2;
	v2 =	vor.u32 $0x8, v2;
	v1 =	vmul.u32 $0x8, v1;
	[dreg:$0x6] =	wrdreg s8;
	s8 =	simm.s32 $0x100;
	s10 =	simm.s32 $0x8100  }
.LBB2_1:
0x1f: {  	s28 =	rddreg [dreg:$0x4];
	s29 =	simm.s32 @!p0 $0x1C02  }
0x20: {  	[spmem:s5], [sflag:s29] =	dma.local @!p0 [hbm:s28], $0x400  }
0x21: {  	s28 =	simm.s32 @!p0 $0x2  }
0x22: {  	_ =	swait.ge @!p0 [sflag:s28], $0x400  }
0x23: {  	[sflag:s28] =	ssyncset.done @!p0 $0x0  }
0x24: {  	s30 =	rddreg [dreg:$0x5];
	[sflag:s28] =	ssyncadd.s32 @!p0 $0xFFFFFC00  }
0x25: {  	[tilespmem:s3], [sflag:$0x2] =	stream.linear.gather [hbm4b:s30+s3], $0x100, $0x38;
	[tilespmem:$0x10400] =	vst v63  }
0x26: {  	_ =	swait.ge [sflag:s6], $0x100  }
0x27: {  	[sflag:s6] =	ssyncset.done $0x0  }
0x28: {  	s2 =	rddreg [dreg:$0x6];
	[sflag:s6] =	ssyncadd.s32 $0xFFFFFF00  }
0x29: {  	[tilespmem:s7], [sflag:$0x2] =	stream.linear.gather [hbm4b:s2+s3], $0x100, $0x38;
	[tilespmem:$0x10400] =	vst v63  }
0x2a: {  	_ =	swait.ge [sflag:s6], $0x100  }
0x2b: {  	[sflag:s6] =	ssyncset.done $0x0  }
0x2c: {  	[sflag:s6] =	ssyncadd.s32 $0xFFFFFF00  }
0x2d: {  	v3 =	vld [tilespmem:$0x0];
	_ =	sdelay $0x4  }
0x2e: {  	v4 =	vshll.u32 v3, $0x1  }
0x2f: {  	v3 =	vand.u32 $0x7, v3;
	v4 =	vand.u32 $0xFFFFFFF0, v4  }
0x30: {  	v3 =	vor.u32 v3, v4  }
0x31: {  	v4 =	vperm.xlane v3, v0;
	_ =	sdelay $0x1  }
0x32: {  	v3 =	vperm.xlane v3, v2;
	v4 =	vadd.s32 v1, v4;
	_ =	sdelay $0x1  }
0x33: {  	v3 =	vadd.s32 v1, v3;
	_ =	sdelay $0x2  }
0x34: {  	[tilespmem:s8], [sflag:$0x1] =	stream.indirect_vreg.gather [hbm4b:s0+s3], $0x80, v4, vm0, $0xb8;
	[tilespmem:$0x10400] =	vst v63  }
0x35: {  	s31 =	rddreg [dreg:$0x9]  }
0x36: {  	[tilespmem:s31], [sflag:$0x1] =	stream.indirect_vreg.gather [hbm4b:s0+s3], $0x80, v3, vm0, $0xb8;
	[tilespmem:$0x10400] =	vst v63  }
0x37: {  	v3 =	vld [tilespmem:$0x10];
	_ =	sdelay $0x4  }
0x38: {  	v49 =	vshll.u32 v3, $0x1  }
0x39: {  	v3 =	vand.u32 $0x7, v3;
	v4 =	vand.u32 $0xFFFFFFF0, v49  }
0x3a: {  	v3 =	vor.u32 v3, v4  }
0x3b: {  	v4 =	vperm.xlane v3, v0;
	_ =	sdelay $0x1  }
0x3c: {  	v3 =	vperm.xlane v3, v2;
	v4 =	vadd.s32 v1, v4;
	_ =	sdelay $0x1  }
0x3d: {  	v3 =	vadd.s32 v1, v3;
	_ =	sdelay $0x1  }
0x3e: {  	s1 =	rddreg [dreg:$0xa]  }
0x3f: {  	[tilespmem:s1], [sflag:$0x1] =	stream.indirect_vreg.gather [hbm4b:s0+s3], $0x80, v4, vm0, $0xb8;
	[tilespmem:$0x10400] =	vst v63  }
0x40: {  	s31 =	rddreg [dreg:$0xb]  }
0x41: {  	[tilespmem:s31], [sflag:$0x1] =	stream.indirect_vreg.gather [hbm4b:s0+s3], $0x80, v3, vm0, $0xb8;
	[tilespmem:$0x10400] =	vst v63  }
0x42: {  	v3 =	vld [tilespmem:$0x20];
	_ =	sdelay $0x4  }
0x43: {  	v50 =	vshll.u32 v3, $0x1  }
0x44: {  	v3 =	vand.u32 $0x7, v3;
	v4 =	vand.u32 $0xFFFFFFF0, v50  }
0x45: {  	v3 =	vor.u32 v3, v4  }
0x46: {  	v4 =	vperm.xlane v3, v0;
	_ =	sdelay $0x1  }
0x47: {  	v3 =	vperm.xlane v3, v2;
	v4 =	vadd.s32 v1, v4;
	_ =	sdelay $0x1  }
0x48: {  	v3 =	vadd.s32 v1, v3;
	_ =	sdelay $0x1  }
0x49: {  	s2 =	rddreg [dreg:$0xc]  }
0x4a: {  	[tilespmem:s2], [sflag:$0x1] =	stream.indirect_vreg.gather [hbm4b:s0+s3], $0x80, v4, vm0, $0xb8;
	[tilespmem:$0x10400] =	vst v63  }
0x4b: {  	s1 =	rddreg [dreg:$0xd]  }
0x4c: {  	[tilespmem:s1], [sflag:$0x1] =	stream.indirect_vreg.gather [hbm4b:s0+s3], $0x80, v3, vm0, $0xb8;
	[tilespmem:$0x10400] =	vst v63  }
0x4d: {  	v3 =	vld [tilespmem:$0x30];
	_ =	sdelay $0x4  }
0x4e: {  	v51 =	vshll.u32 v3, $0x1  }
0x4f: {  	v3 =	vand.u32 $0x7, v3;
	v4 =	vand.u32 $0xFFFFFFF0, v51  }
0x50: {  	v3 =	vor.u32 v3, v4  }
0x51: {  	v4 =	vperm.xlane v3, v0;
	_ =	sdelay $0x1  }
0x52: {  	v3 =	vperm.xlane v3, v2;
	v4 =	vadd.s32 v1, v4;
	_ =	sdelay $0x1  }
0x53: {  	v3 =	vadd.s32 v1, v3;
	_ =	sdelay $0x1  }
0x54: {  	s2 =	rddreg [dreg:$0xe]  }
0x55: {  	[tilespmem:s2], [sflag:$0x1] =	stream.indirect_vreg.gather [hbm4b:s0+s3], $0x80, v4, vm0, $0xb8;
	[tilespmem:$0x10400] =	vst v63  }
0x56: {  	s1 =	rddreg [dreg:$0xf]  }
0x57: {  	[tilespmem:s1], [sflag:$0x1] =	stream.indirect_vreg.gather [hbm4b:s0+s3], $0x80, v3, vm0, $0xb8;
	[tilespmem:$0x10400] =	vst v63  }
0x58: {  	v3 =	vld [tilespmem:$0x40];
	_ =	sdelay $0x4  }
0x59: {  	v52 =	vshll.u32 v3, $0x1  }
0x5a: {  	v3 =	vand.u32 $0x7, v3;
	v4 =	vand.u32 $0xFFFFFFF0, v52  }
0x5b: {  	v3 =	vor.u32 v3, v4  }
0x5c: {  	v4 =	vperm.xlane v3, v0;
	_ =	sdelay $0x1  }
0x5d: {  	v3 =	vperm.xlane v3, v2;
	v4 =	vadd.s32 v1, v4;
	_ =	sdelay $0x1  }
0x5e: {  	v3 =	vadd.s32 v1, v3;
	_ =	sdelay $0x1  }
0x5f: {  	s2 =	rddreg [dreg:$0x10]  }
0x60: {  	[tilespmem:s2], [sflag:$0x1] =	stream.indirect_vreg.gather [hbm4b:s0+s3], $0x80, v4, vm0, $0xb8;
	[tilespmem:$0x10400] =	vst v63  }
0x61: {  	s1 =	rddreg [dreg:$0x11]  }
0x62: {  	[tilespmem:s1], [sflag:$0x1] =	stream.indirect_vreg.gather [hbm4b:s0+s3], $0x80, v3, vm0, $0xb8;
	[tilespmem:$0x10400] =	vst v63  }
0x63: {  	v3 =	vld [tilespmem:$0x50];
	_ =	sdelay $0x4  }
0x64: {  	v53 =	vshll.u32 v3, $0x1  }
0x65: {  	v3 =	vand.u32 $0x7, v3;
	v4 =	vand.u32 $0xFFFFFFF0, v53  }
0x66: {  	v3 =	vor.u32 v3, v4  }
0x67: {  	v4 =	vperm.xlane v3, v0;
	_ =	sdelay $0x1  }
0x68: {  	v3 =	vperm.xlane v3, v2;
	v4 =	vadd.s32 v1, v4;
	_ =	sdelay $0x1  }
0x69: {  	v3 =	vadd.s32 v1, v3;
	_ =	sdelay $0x1  }
0x6a: {  	s2 =	rddreg [dreg:$0x12]  }
0x6b: {  	[tilespmem:s2], [sflag:$0x1] =	stream.indirect_vreg.gather [hbm4b:s0+s3], $0x80, v4, vm0, $0xb8;
	[tilespmem:$0x10400] =	vst v63  }
0x6c: {  	s1 =	rddreg [dreg:$0x13]  }
0x6d: {  	[tilespmem:s1], [sflag:$0x1] =	stream.indirect_vreg.gather [hbm4b:s0+s3], $0x80, v3, vm0, $0xb8;
	[tilespmem:$0x10400] =	vst v63  }
0x6e: {  	v3 =	vld [tilespmem:$0x60];
	_ =	sdelay $0x4  }
0x6f: {  	v54 =	vshll.u32 v3, $0x1  }
0x70: {  	v3 =	vand.u32 $0x7, v3;
	v4 =	vand.u32 $0xFFFFFFF0, v54  }
0x71: {  	v3 =	vor.u32 v3, v4  }
0x72: {  	v4 =	vperm.xlane v3, v0;
	_ =	sdelay $0x1  }
0x73: {  	v3 =	vperm.xlane v3, v2;
	v4 =	vadd.s32 v1, v4;
	_ =	sdelay $0x1  }
0x74: {  	v3 =	vadd.s32 v1, v3;
	_ =	sdelay $0x1  }
0x75: {  	s2 =	rddreg [dreg:$0x14]  }
0x76: {  	[tilespmem:s2], [sflag:$0x1] =	stream.indirect_vreg.gather [hbm4b:s0+s3], $0x80, v4, vm0, $0xb8;
	[tilespmem:$0x10400] =	vst v63  }
0x77: {  	s1 =	rddreg [dreg:$0x15]  }
0x78: {  	[tilespmem:s1], [sflag:$0x1] =	stream.indirect_vreg.gather [hbm4b:s0+s3], $0x80, v3, vm0, $0xb8;
	[tilespmem:$0x10400] =	vst v63  }
0x79: {  	v3 =	vld [tilespmem:$0x70];
	_ =	sdelay $0x4  }
0x7a: {  	v55 =	vshll.u32 v3, $0x1  }
0x7b: {  	v3 =	vand.u32 $0x7, v3;
	v4 =	vand.u32 $0xFFFFFFF0, v55  }
0x7c: {  	v3 =	vor.u32 v3, v4  }
0x7d: {  	v4 =	vperm.xlane v3, v0;
	_ =	sdelay $0x1  }
0x7e: {  	v3 =	vperm.xlane v3, v2;
	v4 =	vadd.s32 v1, v4;
	_ =	sdelay $0x1  }
0x7f: {  	v3 =	vadd.s32 v1, v3;
	_ =	sdelay $0x1  }
0x80: {  	s2 =	rddreg [dreg:$0x16]  }
0x81: {  	[tilespmem:s2], [sflag:$0x1] =	stream.indirect_vreg.gather [hbm4b:s0+s3], $0x80, v4, vm0, $0xb8;
	[tilespmem:$0x10400] =	vst v63  }
0x82: {  	_ = 	snop  }
0x83: {  	[tilespmem:s9], [sflag:$0x1] =	stream.indirect_vreg.gather [hbm4b:s0+s3], $0x80, v3, vm0, $0xb8;
	[tilespmem:$0x10400] =	vst v63  }
0x84: {  	v3 =	vld [tilespmem:$0x80];
	_ =	sdelay $0x4  }
0x85: {  	v56 =	vshll.u32 v3, $0x1  }
0x86: {  	v3 =	vand.u32 $0x7, v3;
	v4 =	vand.u32 $0xFFFFFFF0, v56  }
0x87: {  	v3 =	vor.u32 v3, v4  }
0x88: {  	v4 =	vperm.xlane v3, v0;
	_ =	sdelay $0x1  }
0x89: {  	v3 =	vperm.xlane v3, v2;
	v4 =	vadd.s32 v1, v4;
	_ =	sdelay $0x1  }
0x8a: {  	v3 =	vadd.s32 v1, v3;
	_ =	sdelay $0x2  }
0x8b: {  	[tilespmem:s10], [sflag:$0x1] =	stream.indirect_vreg.gather [hbm4b:s0+s3], $0x80, v4, vm0, $0xb8;
	[tilespmem:$0x10400] =	vst v63  }
0x8c: {  	_ = 	snop  }
0x8d: {  	[tilespmem:s11], [sflag:$0x1] =	stream.indirect_vreg.gather [hbm4b:s0+s3], $0x80, v3, vm0, $0xb8;
	[tilespmem:$0x10400] =	vst v63  }
0x8e: {  	v3 =	vld [tilespmem:$0x90];
	_ =	sdelay $0x4  }
0x8f: {  	v57 =	vshll.u32 v3, $0x1  }
0x90: {  	v3 =	vand.u32 $0x7, v3;
	v4 =	vand.u32 $0xFFFFFFF0, v57  }
0x91: {  	v3 =	vor.u32 v3, v4  }
0x92: {  	v4 =	vperm.xlane v3, v0;
	_ =	sdelay $0x1  }
0x93: {  	v3 =	vperm.xlane v3, v2;
	v4 =	vadd.s32 v1, v4;
	_ =	sdelay $0x1  }
0x94: {  	v3 =	vadd.s32 v1, v3;
	_ =	sdelay $0x2  }
0x95: {  	[tilespmem:s12], [sflag:$0x1] =	stream.indirect_vreg.gather [hbm4b:s0+s3], $0x80, v4, vm0, $0xb8;
	[tilespmem:$0x10400] =	vst v63  }
0x96: {  	_ = 	snop  }
0x97: {  	[tilespmem:s13], [sflag:$0x1] =	stream.indirect_vreg.gather [hbm4b:s0+s3], $0x80, v3, vm0, $0xb8;
	[tilespmem:$0x10400] =	vst v63  }
0x98: {  	v3 =	vld [tilespmem:$0xA0];
	_ =	sdelay $0x4  }
0x99: {  	v58 =	vshll.u32 v3, $0x1  }
0x9a: {  	v3 =	vand.u32 $0x7, v3;
	v4 =	vand.u32 $0xFFFFFFF0, v58  }
0x9b: {  	v3 =	vor.u32 v3, v4  }
0x9c: {  	v4 =	vperm.xlane v3, v0;
	_ =	sdelay $0x1  }
0x9d: {  	v3 =	vperm.xlane v3, v2;
	v4 =	vadd.s32 v1, v4;
	_ =	sdelay $0x1  }
0x9e: {  	v3 =	vadd.s32 v1, v3;
	_ =	sdelay $0x2  }
0x9f: {  	[tilespmem:s14], [sflag:$0x1] =	stream.indirect_vreg.gather [hbm4b:s0+s3], $0x80, v4, vm0, $0xb8;
	[tilespmem:$0x10400] =	vst v63  }
0xa0: {  	_ = 	snop  }
0xa1: {  	[tilespmem:s15], [sflag:$0x1] =	stream.indirect_vreg.gather [hbm4b:s0+s3], $0x80, v3, vm0, $0xb8;
	[tilespmem:$0x10400] =	vst v63  }
0xa2: {  	v3 =	vld [tilespmem:$0xB0];
	_ =	sdelay $0x4  }
0xa3: {  	v59 =	vshll.u32 v3, $0x1  }
0xa4: {  	v3 =	vand.u32 $0x7, v3;
	v4 =	vand.u32 $0xFFFFFFF0, v59  }
0xa5: {  	v3 =	vor.u32 v3, v4  }
0xa6: {  	v4 =	vperm.xlane v3, v0;
	_ =	sdelay $0x1  }
0xa7: {  	v3 =	vperm.xlane v3, v2;
	v4 =	vadd.s32 v1, v4;
	_ =	sdelay $0x1  }
0xa8: {  	v3 =	vadd.s32 v1, v3;
	_ =	sdelay $0x2  }
0xa9: {  	[tilespmem:s16], [sflag:$0x1] =	stream.indirect_vreg.gather [hbm4b:s0+s3], $0x80, v4, vm0, $0xb8;
	[tilespmem:$0x10400] =	vst v63  }
0xaa: {  	_ = 	snop  }
0xab: {  	[tilespmem:s17], [sflag:$0x1] =	stream.indirect_vreg.gather [hbm4b:s0+s3], $0x80, v3, vm0, $0xb8;
	[tilespmem:$0x10400] =	vst v63  }
0xac: {  	v3 =	vld [tilespmem:$0xC0];
	_ =	sdelay $0x4  }
0xad: {  	v60 =	vshll.u32 v3, $0x1  }
0xae: {  	v3 =	vand.u32 $0x7, v3;
	v4 =	vand.u32 $0xFFFFFFF0, v60  }
0xaf: {  	v3 =	vor.u32 v3, v4  }
0xb0: {  	v4 =	vperm.xlane v3, v0;
	_ =	sdelay $0x1  }
0xb1: {  	v3 =	vperm.xlane v3, v2;
	v4 =	vadd.s32 v1, v4;
	_ =	sdelay $0x1  }
0xb2: {  	v3 =	vadd.s32 v1, v3;
	_ =	sdelay $0x2  }
0xb3: {  	[tilespmem:s18], [sflag:$0x1] =	stream.indirect_vreg.gather [hbm4b:s0+s3], $0x80, v4, vm0, $0xb8;
	[tilespmem:$0x10400] =	vst v63  }
0xb4: {  	_ = 	snop  }
0xb5: {  	[tilespmem:s19], [sflag:$0x1] =	stream.indirect_vreg.gather [hbm4b:s0+s3], $0x80, v3, vm0, $0xb8;
	[tilespmem:$0x10400] =	vst v63  }
0xb6: {  	v3 =	vld [tilespmem:$0xD0];
	_ =	sdelay $0x4  }
0xb7: {  	v61 =	vshll.u32 v3, $0x1  }
0xb8: {  	v3 =	vand.u32 $0x7, v3;
	v4 =	vand.u32 $0xFFFFFFF0, v61  }
0xb9: {  	v3 =	vor.u32 v3, v4  }
0xba: {  	v4 =	vperm.xlane v3, v0;
	_ =	sdelay $0x1  }
0xbb: {  	v3 =	vperm.xlane v3, v2;
	v4 =	vadd.s32 v1, v4;
	_ =	sdelay $0x1  }
0xbc: {  	v3 =	vadd.s32 v1, v3;
	_ =	sdelay $0x2  }
0xbd: {  	[tilespmem:s20], [sflag:$0x1] =	stream.indirect_vreg.gather [hbm4b:s0+s3], $0x80, v4, vm0, $0xb8;
	[tilespmem:$0x10400] =	vst v63  }
0xbe: {  	_ = 	snop  }
0xbf: {  	[tilespmem:s21], [sflag:$0x1] =	stream.indirect_vreg.gather [hbm4b:s0+s3], $0x80, v3, vm0, $0xb8;
	[tilespmem:$0x10400] =	vst v63  }
0xc0: {  	v3 =	vld [tilespmem:$0xE0];
	_ =	sdelay $0x4  }
0xc1: {  	v62 =	vshll.u32 v3, $0x1  }
0xc2: {  	v3 =	vand.u32 $0x7, v3;
	v4 =	vand.u32 $0xFFFFFFF0, v62  }
0xc3: {  	v3 =	vor.u32 v3, v4  }
0xc4: {  	v4 =	vperm.xlane v3, v0;
	_ =	sdelay $0x1  }
0xc5: {  	v3 =	vperm.xlane v3, v2;
	v4 =	vadd.s32 v1, v4;
	_ =	sdelay $0x1  }
0xc6: {  	v3 =	vadd.s32 v1, v3;
	_ =	sdelay $0x2  }
0xc7: {  	[tilespmem:s22], [sflag:$0x1] =	stream.indirect_vreg.gather [hbm4b:s0+s3], $0x80, v4, vm0, $0xb8;
	[tilespmem:$0x10400] =	vst v63  }
0xc8: {  	_ = 	snop  }
0xc9: {  	[tilespmem:s23], [sflag:$0x1] =	stream.indirect_vreg.gather [hbm4b:s0+s3], $0x80, v3, vm0, $0xb8;
	[tilespmem:$0x10400] =	vst v63  }
0xca: {  	v3 =	vld [tilespmem:$0xF0];
	_ =	sdelay $0x4  }
0xcb: {  	v63 =	vshll.u32 v3, $0x1  }
0xcc: {  	v3 =	vand.u32 $0x7, v3;
	v4 =	vand.u32 $0xFFFFFFF0, v63  }
0xcd: {  	v3 =	vor.u32 v3, v4  }
0xce: {  	v4 =	vperm.xlane v3, v0;
	_ =	sdelay $0x1  }
0xcf: {  	v3 =	vperm.xlane v3, v2;
	v4 =	vadd.s32 v1, v4;
	_ =	sdelay $0x1  }
0xd0: {  	v3 =	vadd.s32 v1, v3;
	_ =	sdelay $0x2  }
0xd1: {  	[tilespmem:s24], [sflag:$0x1] =	stream.indirect_vreg.gather [hbm4b:s0+s3], $0x80, v4, vm0, $0xb8;
	[tilespmem:$0x10400] =	vst v63  }
0xd2: {  	_ = 	snop  }
0xd3: {  	[tilespmem:s25], [sflag:$0x1] =	stream.indirect_vreg.gather [hbm4b:s0+s3], $0x80, v3, vm0, $0xb8;
	[tilespmem:$0x10400] =	vst v63  }
0xd4: {  	_ =	swait.ge [sflag:s26], $0x10000  }
0xd5: {  	[sflag:s26] =	ssyncset.done $0x0  }
0xd6: {  	s31 =	rddreg [dreg:$0x7];
	[sflag:s26] =	ssyncadd.s32 $0xFFFF0000  }
0xd7: {  	[hbm4b:s31+s3] =	stream.linear.scatter [tilespmem:s8], [sflag:$0x2], $0x10000, $0x38;
	[tilespmem:$0x10400] =	vst v63  }
0xd8: {  	_ =	swait.ge [sflag:s6], $0x10000  }
0xd9: {  	[sflag:s6] =	ssyncset.done $0x0  }
0xda: {  	[sflag:s6] =	ssyncadd.s32 $0xFFFF0000  }
0xdb: {  	[bflag:$0x0] =	sbarrier.arrive $0xFFFF  }
0xdc: {  	s1 =	rddreg [dreg:$0x2]  }
0xdd: {  	[spmem:s1] =	stream.indirect.scatter.add.f32 [tilespmem:s7], [sflag:$0x2], $0x1, s3, s8, $0xb8;
	[tilespmem:$0x10400] =	vst v63  }
0xde: {  	_ =	swait.ge [sflag:s6], $0x100  }
0xdf: {  	s4 =	sadd.s32 $0xFFFFFFFF, s4;
	[sflag:s6] =	ssyncset.done $0x0  }
0xe0: {  	p1 =	sne.s32 s4, $0x0;
	[sflag:s6] =	ssyncadd.s32 $0xFFFFFF00  }
0xe1: {  	s2 =	simm.s32 @!p0 $0x10;
	s31 =	simm.s32 @!p0 $0x1;
	[bflag:$0x0] =	sbarrier.arrive $0xFFFF  }
.Ltmp0:
0xe2: {  	s1 =	simm.s32 @!p0 $0x20;
	s30 =	rddreg [dreg:$0x8];
	(pc) =	sbr.rel @p1 .LBB2_1-.Ltmp0, $4  }
0xe3: {  	[hbm:s30@s1], [sflag:s29] =	dma.strided @!p0 [spmem:s5@s2], $0x400, s31, $0x10   }
0xe4: {  	_ =	swait.ge @!p0 [sflag:s28], $0x400  }
0xe5: {  	[sflag:s28] =	ssyncset.done @!p0 $0x0  }
0xe6: {  	[sflag:s28] =	ssyncadd.s32 @!p0 $0xFFFFFC00  }
0xe7: {  	_ =	sfence.sel $0x180000  }
0xe8: {  	[bflag:$0x0] =	sbarrier.arrive $0xFFFF  }
0xe9: {  	_ =	strace $0x90000047  }
0xea: {  	[bflag:$0x2] =	sbarrier.arrive $0xFFFF  }
0xeb: {  	s0 =	rddreg [dreg:$0x3]  }
0xec: {  	s0 =	sadd.s32 @!p0 $0x100000, s0  }
0xed: {  	[sflag:s0] =	ssyncadd.tile.s32 @!p0 $0x1;
	_ =	shalt  }
.Lfunc_end2:
_tile_overlayer_lowered:
.L_overlay_start_2:
0xee: {  	(tag) =	ssettag $0x2  }
0xef: {  	s0 =	rddreg [dreg:$0x0];
	s2 =	stileid.u32  }
0xf0: {  	s1 =	rddreg [dreg:$0x1];
	p0 =	sne.s32 s2, $0x0  }
0xf1: {  	s3 =	rddreg [dreg:$0x2];
	[bflag:$0x3] =	sbarrier.arrive $0xFFFF;
	s2 =	simm.s32 @!p0 $0x1C02  }
0xf2: {  	[timem:s3], [sflag:s2] =	dma.local @!p0 [hbm:s0], s1  }
0xf3: {  	s0 =	simm.s32 @!p0 $0x2  }
0xf4: {  	_ =	swait.ge @!p0 [sflag:s0], s1  }
0xf5: {  	s1 =	ssub.s32 @!p0 $0x0, s1;
	[sflag:s0] =	ssyncset.done @!p0 $0x0  }
0xf6: {  	[sflag:s0] =	ssyncadd.s32 @!p0 s1  }
0xf7: {  	[bflag:$0x3] =	sbarrier.arrive $0xFFFF  }
0xf8: {  	_ =	shalt  }

</sc_bundles>
